<compile_context>
chip_gen: v7x
topology: tpu7x:2x2x1
jax: 0.10.2.dev20260603
libtpu: 0.0.44.dev20260713+nightly
codegen_flags: <defaults>
</compile_context>

<pallas_src>
import functools

import jax
import jax.numpy as jnp
from jax import lax
from jax.experimental import pallas as pl
from jax.experimental.pallas import tpu as pltpu
from jax.experimental.pallas import tpu_sc as plsc

OUT_DIM = 128
BATCH = 1024
SEQ = 300

NUM_CORES = 2
NUM_SUBCORES = 16
NW = NUM_CORES * NUM_SUBCORES

B = BATCH * SEQ
B_PER_W = B // NW
CHUNK = 128
NCH = B_PER_W // CHUNK
NPAIR = NCH // 2


def _gather_rows2(ids_flat, table):
    mesh = plsc.VectorSubcoreMesh(
        core_axis_name="c", subcore_axis_name="s",
        num_cores=NUM_CORES, num_subcores=NUM_SUBCORES)

    out_sds = jax.ShapeDtypeStruct((B, OUT_DIM), jnp.float32)

    @functools.partial(
        pl.kernel,
        out_type=(out_sds, out_sds),
        mesh=mesh,
        scratch_types=[
            pltpu.VMEM((B_PER_W,), jnp.int32),
            pltpu.VMEM((CHUNK, OUT_DIM), jnp.float32),
            pltpu.VMEM((CHUNK, OUT_DIM), jnp.float32),
            pltpu.SemaphoreType.DMA,
            pltpu.SemaphoreType.DMA,
        ],
    )
    def k(ids_hbm, table_hbm, out_hbm, out2_hbm, idx_v, buf0, buf1, sem0, sem1):
        wid = lax.axis_index("s") * NUM_CORES + lax.axis_index("c")
        base = pl.multiple_of(wid * B_PER_W, CHUNK)
        pltpu.sync_copy(ids_hbm.at[pl.ds(base, B_PER_W)], idx_v)

        def start_gather(c, buf, sem):
            off = pl.multiple_of(c * CHUNK, CHUNK)
            pltpu.async_copy(table_hbm.at[idx_v.at[pl.ds(off, CHUNK)]], buf, sem)

        def wait_gather(buf, sem):
            pltpu.make_async_copy(table_hbm.at[pl.ds(0, CHUNK)], buf, sem).wait()

        def store(c, buf):
            off = pl.multiple_of(base + c * CHUNK, CHUNK)
            pltpu.sync_copy(buf, out_hbm.at[pl.ds(off, CHUNK)])
            pltpu.sync_copy(buf, out2_hbm.at[pl.ds(off, CHUNK)])

        start_gather(0, buf0, sem0)

        @pl.loop(0, NPAIR)
        def _(i):
            c0 = 2 * i
            start_gather(c0 + 1, buf1, sem1)
            wait_gather(buf0, sem0)
            store(c0, buf0)
            start_gather(c0 + 2, buf0, sem0)
            wait_gather(buf1, sem1)
            store(c0 + 1, buf1)

        wait_gather(buf0, sem0)
        store(NCH - 1, buf0)

    return k(ids_flat, table)


def kernel(input_ids, attention_mask, W):
    ids_sm = input_ids.T.reshape(-1)
    f1, f2 = _gather_rows2(ids_sm, W)
    e1 = f1.reshape(SEQ, BATCH, OUT_DIM).transpose(1, 0, 2)
    e2 = f2.reshape(SEQ, BATCH, OUT_DIM).transpose(1, 0, 2)
    return (e1, e2, attention_mask)

# --- scband reference (transcript-rebuilt; emitter-appended) ---
"""Pipeline reference for scband-qw-text-conditioner-27049704030655 (READ-ONLY COPY).

The authoritative reference and input builder live on the scoring server;
editing this copy changes nothing except your own understanding.
"""

import jax, jax.numpy as jnp
import numpy as np

VOCAB = 151646  # len(Qwen2Tokenizer.get_vocab())
OUT_DIM = 128
MAX_LEN = 300
PAD_ID = 151643
BATCH = 1024
SEQ = 300


def pad_2d_tensor(x, max_len, pad_id):
    b, s = x.shape
    if s > max_len:
        return x[:, :max_len]
    if s < max_len:
        pad = jnp.full((b, max_len - s), pad_id, dtype=x.dtype)
        return jnp.concatenate([x, pad], axis=1)
    return x


def setup_inputs(seed: int = 0) -> dict:
    key = jax.random.key(seed)
    k1, k2 = jax.random.split(key)
    input_ids = jax.random.randint(k1, (BATCH, SEQ), 0, VOCAB, dtype=jnp.int32)
    attention_mask = jnp.ones((BATCH, SEQ), dtype=jnp.int32)
    # nn.Embedding(voc_size, output_dim, padding_idx=151643): N(0,1) init, padding row zeroed
    W = jax.random.normal(k2, (VOCAB, OUT_DIM), dtype=jnp.float32)
    W = W.at[PAD_ID].set(0.0)
    return {"input_ids": input_ids, "attention_mask": attention_mask, "W": W}


def reference(input_ids, attention_mask, W):
    # QwTextConditioner.forward: pad/truncate tokens & mask to max_len, then embedding lookup
    tokens = pad_2d_tensor(input_ids, MAX_LEN, PAD_ID)
    mask = pad_2d_tensor(attention_mask, MAX_LEN, 0)
    embeds = jnp.take(W, tokens, axis=0)  # [B, T, D] gather == nn.Embedding
    return (embeds, embeds, mask)

if __name__ == "__main__":
    import jax
    _d = setup_inputs()
    print(jax.jit(kernel)(*tuple(_d.values())))

</pallas_src>

<mosaic_0001>
#map = affine_map<(d0, d1) -> (0)>
#map1 = affine_map<(d0, d1) -> (0, 0)>
module attributes {stable_mosaic.version = 14 : i64} {
  func.func @k(%arg0: i32, %arg1: i32, %arg2: memref<307200xi32, #tpu.memory_space<hbm>>, %arg3: memref<151646x128xf32, #tpu.memory_space<hbm>>, %arg4: memref<307200x128xf32, #tpu.memory_space<hbm>>, %arg5: memref<307200x128xf32, #tpu.memory_space<hbm>>, %arg6: memref<9600xi32, #tpu.memory_space<vmem>>, %arg7: memref<128x128xf32, #tpu.memory_space<vmem>>, %arg8: memref<128x128xf32, #tpu.memory_space<vmem>>, %arg9: memref<!tpu.dma_semaphore, #tpu.memory_space<semaphore_mem>>, %arg10: memref<!tpu.dma_semaphore, #tpu.memory_space<semaphore_mem>>) attributes {dimension_semantics = [#tpu.dimension_semantics<core_parallel>, #tpu.dimension_semantics<subcore_parallel>], iteration_bounds = array<i64: 2, 16>, scalar_prefetch = 0 : i64, scratch_operands = 5 : i64, tpu.core_type = #tpu.core_type<sc_vector_subcore>, window_params = [{transform_indices = #map}, {transform_indices = #map1}, {transform_indices = #map1}, {transform_indices = #map1}]} {
    %mul3A = arith.constant 2 : i32
    %mul3A_0 = arith.muli %arg1, %mul3A : i32
    %add3A = arith.addi %mul3A_0, %arg0 : i32
    %mul3A_1 = arith.constant 9600 : i32
    %mul3A_2 = arith.muli %add3A, %mul3A_1 : i32
    %multiple_of3A = tpu.assume_multiple %mul3A_2, 128 : i32
    "tpu.region"() ({
      %run_scoped3A = tpu.sem_alloc : memref<!tpu.dma_semaphore, #tpu.memory_space<semaphore_mem>>
      %dma_start3A_20 = tpu.memref_slice %arg2[%multiple_of3A] : memref<307200xi32, #tpu.memory_space<hbm>> -> memref<9600xi32, #tpu.memory_space<hbm>>
      %dma_start3A_21 = tpu.memref_slice %arg2[%multiple_of3A] : memref<307200xi32, #tpu.memory_space<hbm>> -> memref<9600xi32, #tpu.memory_space<hbm>>
      tpu.enqueue_dma source(%dma_start3A_21 : memref<9600xi32, #tpu.memory_space<hbm>>) target(%arg6 : memref<9600xi32, #tpu.memory_space<vmem>>) target_semaphore(%run_scoped3A : memref<!tpu.dma_semaphore, #tpu.memory_space<semaphore_mem>>)
      %dma_wait3A_22 = tpu.memref_slice %arg2[%multiple_of3A] : memref<307200xi32, #tpu.memory_space<hbm>> -> memref<9600xi32, #tpu.memory_space<hbm>>
      %dma_wait3A_23 = tpu.memref_slice %arg2[%multiple_of3A] : memref<307200xi32, #tpu.memory_space<hbm>> -> memref<9600xi32, #tpu.memory_space<hbm>>
      tpu.wait_dma2 semaphore(%run_scoped3A : memref<!tpu.dma_semaphore, #tpu.memory_space<semaphore_mem>>) src(%dma_wait3A_23 : memref<9600xi32, #tpu.memory_space<hbm>>) dst(%arg6 : memref<9600xi32, #tpu.memory_space<vmem>>)
      tpu.yield
    }) : () -> ()
    %multiple_of3A_3 = arith.constant 0 : i32
    %multiple_of3A_4 = tpu.assume_multiple %multiple_of3A_3, 128 : i32
    %dma_start3A = tpu.memref_slice %arg6[%multiple_of3A_4] : memref<9600xi32, #tpu.memory_space<vmem>> -> memref<128xi32, #tpu.memory_space<vmem>>
    %dma_start3A_5 = arith.constant 0 : i32
    %dma_start3A_6 = arith.constant 0 : i32
    %dma_start3A_7 = tpu.memref_slice %arg3[%dma_start3A_5, %dma_start3A_6] : memref<151646x128xf32, #tpu.memory_space<hbm>> -> memref<151646x128xf32, #tpu.memory_space<hbm>>
    tpu.enqueue_indirect_dma source(%dma_start3A_7 : memref<151646x128xf32, #tpu.memory_space<hbm>>) target(%arg7 : memref<128x128xf32, #tpu.memory_space<vmem>>) offsets(%dma_start3A : memref<128xi32, #tpu.memory_space<vmem>>) semaphore(%arg9 : memref<!tpu.dma_semaphore, #tpu.memory_space<semaphore_mem>>)
    %scan3A = arith.constant 0 : i32
    %scan3A_8 = arith.constant 37 : i32
    %scan3A_9 = arith.addi %scan3A, %scan3A_8 : i32
    %scan3A_10 = arith.constant 1 : i32
    scf.for %scan3A_20 = %scan3A to %scan3A_9 step %scan3A_10  : i32 {
      %mul3A_21 = arith.constant 1 : i32
      %mul3A_22 = arith.muli %scan3A_20, %mul3A_21 : i32
      %add3A_23 = arith.constant 0 : i32
      %add3A_24 = arith.addi %add3A_23, %mul3A_22 : i32
      %mul3A_25 = arith.constant 2 : i32
      %mul3A_26 = arith.muli %mul3A_25, %add3A_24 : i32
      %add3A_27 = arith.constant 1 : i32
      %add3A_28 = arith.addi %mul3A_26, %add3A_27 : i32
      %mul3A_29 = arith.constant 128 : i32
      %mul3A_30 = arith.muli %add3A_28, %mul3A_29 : i32
      %multiple_of3A_31 = tpu.assume_multiple %mul3A_30, 128 : i32
      %dma_start3A_32 = tpu.memref_slice %arg6[%multiple_of3A_31] : memref<9600xi32, #tpu.memory_space<vmem>> -> memref<128xi32, #tpu.memory_space<vmem>>
      %dma_start3A_33 = arith.constant 0 : i32
      %dma_start3A_34 = arith.constant 0 : i32
      %dma_start3A_35 = tpu.memref_slice %arg3[%dma_start3A_33, %dma_start3A_34] : memref<151646x128xf32, #tpu.memory_space<hbm>> -> memref<151646x128xf32, #tpu.memory_space<hbm>>
      tpu.enqueue_indirect_dma source(%dma_start3A_35 : memref<151646x128xf32, #tpu.memory_space<hbm>>) target(%arg8 : memref<128x128xf32, #tpu.memory_space<vmem>>) offsets(%dma_start3A_32 : memref<128xi32, #tpu.memory_space<vmem>>) semaphore(%arg10 : memref<!tpu.dma_semaphore, #tpu.memory_space<semaphore_mem>>)
      %dma_wait3A_36 = arith.constant 0 : i32
      %dma_wait3A_37 = arith.constant 0 : i32
      %dma_wait3A_38 = tpu.memref_slice %arg3[%dma_wait3A_36, %dma_wait3A_37] : memref<151646x128xf32, #tpu.memory_space<hbm>> -> memref<128x128xf32, #tpu.memory_space<hbm>>
      %dma_wait3A_39 = arith.constant 0 : i32
      %dma_wait3A_40 = arith.constant 0 : i32
      %dma_wait3A_41 = tpu.memref_slice %arg3[%dma_wait3A_39, %dma_wait3A_40] : memref<151646x128xf32, #tpu.memory_space<hbm>> -> memref<128x128xf32, #tpu.memory_space<hbm>>
      tpu.wait_dma2 semaphore(%arg9 : memref<!tpu.dma_semaphore, #tpu.memory_space<semaphore_mem>>) src(%dma_wait3A_41 : memref<128x128xf32, #tpu.memory_space<hbm>>) dst(%arg7 : memref<128x128xf32, #tpu.memory_space<vmem>>)
      %mul3A_42 = arith.constant 128 : i32
      %mul3A_43 = arith.muli %mul3A_26, %mul3A_42 : i32
      %add3A_44 = arith.addi %multiple_of3A, %mul3A_43 : i32
      %multiple_of3A_45 = tpu.assume_multiple %add3A_44, 128 : i32
      "tpu.region"() ({
        %run_scoped3A = tpu.sem_alloc : memref<!tpu.dma_semaphore, #tpu.memory_space<semaphore_mem>>
        %dma_start3A_67 = arith.constant 0 : i32
        %dma_start3A_68 = tpu.memref_slice %arg4[%multiple_of3A_45, %dma_start3A_67] : memref<307200x128xf32, #tpu.memory_space<hbm>> -> memref<128x128xf32, #tpu.memory_space<hbm>>
        %dma_start3A_69 = arith.constant 0 : i32
        %dma_start3A_70 = tpu.memref_slice %arg4[%multiple_of3A_45, %dma_start3A_69] : memref<307200x128xf32, #tpu.memory_space<hbm>> -> memref<128x128xf32, #tpu.memory_space<hbm>>
        tpu.enqueue_dma source(%arg7 : memref<128x128xf32, #tpu.memory_space<vmem>>) target(%dma_start3A_70 : memref<128x128xf32, #tpu.memory_space<hbm>>) target_semaphore(%run_scoped3A : memref<!tpu.dma_semaphore, #tpu.memory_space<semaphore_mem>>)
        %dma_wait3A_71 = arith.constant 0 : i32
        %dma_wait3A_72 = tpu.memref_slice %arg4[%multiple_of3A_45, %dma_wait3A_71] : memref<307200x128xf32, #tpu.memory_space<hbm>> -> memref<128x128xf32, #tpu.memory_space<hbm>>
        %dma_wait3A_73 = arith.constant 0 : i32
        %dma_wait3A_74 = tpu.memref_slice %arg4[%multiple_of3A_45, %dma_wait3A_73] : memref<307200x128xf32, #tpu.memory_space<hbm>> -> memref<128x128xf32, #tpu.memory_space<hbm>>
        tpu.wait_dma2 semaphore(%run_scoped3A : memref<!tpu.dma_semaphore, #tpu.memory_space<semaphore_mem>>) src(%arg7 : memref<128x128xf32, #tpu.memory_space<vmem>>) dst(%dma_wait3A_74 : memref<128x128xf32, #tpu.memory_space<hbm>>)
        tpu.yield
      }) : () -> ()
      "tpu.region"() ({
        %run_scoped3A = tpu.sem_alloc : memref<!tpu.dma_semaphore, #tpu.memory_space<semaphore_mem>>
        %dma_start3A_67 = arith.constant 0 : i32
        %dma_start3A_68 = tpu.memref_slice %arg5[%multiple_of3A_45, %dma_start3A_67] : memref<307200x128xf32, #tpu.memory_space<hbm>> -> memref<128x128xf32, #tpu.memory_space<hbm>>
        %dma_start3A_69 = arith.constant 0 : i32
        %dma_start3A_70 = tpu.memref_slice %arg5[%multiple_of3A_45, %dma_start3A_69] : memref<307200x128xf32, #tpu.memory_space<hbm>> -> memref<128x128xf32, #tpu.memory_space<hbm>>
        tpu.enqueue_dma source(%arg7 : memref<128x128xf32, #tpu.memory_space<vmem>>) target(%dma_start3A_70 : memref<128x128xf32, #tpu.memory_space<hbm>>) target_semaphore(%run_scoped3A : memref<!tpu.dma_semaphore, #tpu.memory_space<semaphore_mem>>)
        %dma_wait3A_71 = arith.constant 0 : i32
        %dma_wait3A_72 = tpu.memref_slice %arg5[%multiple_of3A_45, %dma_wait3A_71] : memref<307200x128xf32, #tpu.memory_space<hbm>> -> memref<128x128xf32, #tpu.memory_space<hbm>>
        %dma_wait3A_73 = arith.constant 0 : i32
        %dma_wait3A_74 = tpu.memref_slice %arg5[%multiple_of3A_45, %dma_wait3A_73] : memref<307200x128xf32, #tpu.memory_space<hbm>> -> memref<128x128xf32, #tpu.memory_space<hbm>>
        tpu.wait_dma2 semaphore(%run_scoped3A : memref<!tpu.dma_semaphore, #tpu.memory_space<semaphore_mem>>) src(%arg7 : memref<128x128xf32, #tpu.memory_space<vmem>>) dst(%dma_wait3A_74 : memref<128x128xf32, #tpu.memory_space<hbm>>)
        tpu.yield
      }) : () -> ()
      %add3A_46 = arith.constant 2 : i32
      %add3A_47 = arith.addi %mul3A_26, %add3A_46 : i32
      %mul3A_48 = arith.constant 128 : i32
      %mul3A_49 = arith.muli %add3A_47, %mul3A_48 : i32
      %multiple_of3A_50 = tpu.assume_multiple %mul3A_49, 128 : i32
      %dma_start3A_51 = tpu.memref_slice %arg6[%multiple_of3A_50] : memref<9600xi32, #tpu.memory_space<vmem>> -> memref<128xi32, #tpu.memory_space<vmem>>
      %dma_start3A_52 = arith.constant 0 : i32
      %dma_start3A_53 = arith.constant 0 : i32
      %dma_start3A_54 = tpu.memref_slice %arg3[%dma_start3A_52, %dma_start3A_53] : memref<151646x128xf32, #tpu.memory_space<hbm>> -> memref<151646x128xf32, #tpu.memory_space<hbm>>
      tpu.enqueue_indirect_dma source(%dma_start3A_54 : memref<151646x128xf32, #tpu.memory_space<hbm>>) target(%arg7 : memref<128x128xf32, #tpu.memory_space<vmem>>) offsets(%dma_start3A_51 : memref<128xi32, #tpu.memory_space<vmem>>) semaphore(%arg9 : memref<!tpu.dma_semaphore, #tpu.memory_space<semaphore_mem>>)
      %dma_wait3A_55 = arith.constant 0 : i32
      %dma_wait3A_56 = arith.constant 0 : i32
      %dma_wait3A_57 = tpu.memref_slice %arg3[%dma_wait3A_55, %dma_wait3A_56] : memref<151646x128xf32, #tpu.memory_space<hbm>> -> memref<128x128xf32, #tpu.memory_space<hbm>>
      %dma_wait3A_58 = arith.constant 0 : i32
      %dma_wait3A_59 = arith.constant 0 : i32
      %dma_wait3A_60 = tpu.memref_slice %arg3[%dma_wait3A_58, %dma_wait3A_59] : memref<151646x128xf32, #tpu.memory_space<hbm>> -> memref<128x128xf32, #tpu.memory_space<hbm>>
      tpu.wait_dma2 semaphore(%arg10 : memref<!tpu.dma_semaphore, #tpu.memory_space<semaphore_mem>>) src(%dma_wait3A_60 : memref<128x128xf32, #tpu.memory_space<hbm>>) dst(%arg8 : memref<128x128xf32, #tpu.memory_space<vmem>>)
      %add3A_61 = arith.constant 1 : i32
      %add3A_62 = arith.addi %mul3A_26, %add3A_61 : i32
      %mul3A_63 = arith.constant 128 : i32
      %mul3A_64 = arith.muli %add3A_62, %mul3A_63 : i32
      %add3A_65 = arith.addi %multiple_of3A, %mul3A_64 : i32
      %multiple_of3A_66 = tpu.assume_multiple %add3A_65, 128 : i32
      "tpu.region"() ({
        %run_scoped3A = tpu.sem_alloc : memref<!tpu.dma_semaphore, #tpu.memory_space<semaphore_mem>>
        %dma_start3A_67 = arith.constant 0 : i32
        %dma_start3A_68 = tpu.memref_slice %arg4[%multiple_of3A_66, %dma_start3A_67] : memref<307200x128xf32, #tpu.memory_space<hbm>> -> memref<128x128xf32, #tpu.memory_space<hbm>>
        %dma_start3A_69 = arith.constant 0 : i32
        %dma_start3A_70 = tpu.memref_slice %arg4[%multiple_of3A_66, %dma_start3A_69] : memref<307200x128xf32, #tpu.memory_space<hbm>> -> memref<128x128xf32, #tpu.memory_space<hbm>>
        tpu.enqueue_dma source(%arg8 : memref<128x128xf32, #tpu.memory_space<vmem>>) target(%dma_start3A_70 : memref<128x128xf32, #tpu.memory_space<hbm>>) target_semaphore(%run_scoped3A : memref<!tpu.dma_semaphore, #tpu.memory_space<semaphore_mem>>)
        %dma_wait3A_71 = arith.constant 0 : i32
        %dma_wait3A_72 = tpu.memref_slice %arg4[%multiple_of3A_66, %dma_wait3A_71] : memref<307200x128xf32, #tpu.memory_space<hbm>> -> memref<128x128xf32, #tpu.memory_space<hbm>>
        %dma_wait3A_73 = arith.constant 0 : i32
        %dma_wait3A_74 = tpu.memref_slice %arg4[%multiple_of3A_66, %dma_wait3A_73] : memref<307200x128xf32, #tpu.memory_space<hbm>> -> memref<128x128xf32, #tpu.memory_space<hbm>>
        tpu.wait_dma2 semaphore(%run_scoped3A : memref<!tpu.dma_semaphore, #tpu.memory_space<semaphore_mem>>) src(%arg8 : memref<128x128xf32, #tpu.memory_space<vmem>>) dst(%dma_wait3A_74 : memref<128x128xf32, #tpu.memory_space<hbm>>)
        tpu.yield
      }) : () -> ()
      "tpu.region"() ({
        %run_scoped3A = tpu.sem_alloc : memref<!tpu.dma_semaphore, #tpu.memory_space<semaphore_mem>>
        %dma_start3A_67 = arith.constant 0 : i32
        %dma_start3A_68 = tpu.memref_slice %arg5[%multiple_of3A_66, %dma_start3A_67] : memref<307200x128xf32, #tpu.memory_space<hbm>> -> memref<128x128xf32, #tpu.memory_space<hbm>>
        %dma_start3A_69 = arith.constant 0 : i32
        %dma_start3A_70 = tpu.memref_slice %arg5[%multiple_of3A_66, %dma_start3A_69] : memref<307200x128xf32, #tpu.memory_space<hbm>> -> memref<128x128xf32, #tpu.memory_space<hbm>>
        tpu.enqueue_dma source(%arg8 : memref<128x128xf32, #tpu.memory_space<vmem>>) target(%dma_start3A_70 : memref<128x128xf32, #tpu.memory_space<hbm>>) target_semaphore(%run_scoped3A : memref<!tpu.dma_semaphore, #tpu.memory_space<semaphore_mem>>)
        %dma_wait3A_71 = arith.constant 0 : i32
        %dma_wait3A_72 = tpu.memref_slice %arg5[%multiple_of3A_66, %dma_wait3A_71] : memref<307200x128xf32, #tpu.memory_space<hbm>> -> memref<128x128xf32, #tpu.memory_space<hbm>>
        %dma_wait3A_73 = arith.constant 0 : i32
        %dma_wait3A_74 = tpu.memref_slice %arg5[%multiple_of3A_66, %dma_wait3A_73] : memref<307200x128xf32, #tpu.memory_space<hbm>> -> memref<128x128xf32, #tpu.memory_space<hbm>>
        tpu.wait_dma2 semaphore(%run_scoped3A : memref<!tpu.dma_semaphore, #tpu.memory_space<semaphore_mem>>) src(%arg8 : memref<128x128xf32, #tpu.memory_space<vmem>>) dst(%dma_wait3A_74 : memref<128x128xf32, #tpu.memory_space<hbm>>)
        tpu.yield
      }) : () -> ()
    }
    %scan3A_11 = arith.constant 37 : i32
    %dma_wait3A = arith.constant 0 : i32
    %dma_wait3A_12 = arith.constant 0 : i32
    %dma_wait3A_13 = tpu.memref_slice %arg3[%dma_wait3A, %dma_wait3A_12] : memref<151646x128xf32, #tpu.memory_space<hbm>> -> memref<128x128xf32, #tpu.memory_space<hbm>>
    %dma_wait3A_14 = arith.constant 0 : i32
    %dma_wait3A_15 = arith.constant 0 : i32
    %dma_wait3A_16 = tpu.memref_slice %arg3[%dma_wait3A_14, %dma_wait3A_15] : memref<151646x128xf32, #tpu.memory_space<hbm>> -> memref<128x128xf32, #tpu.memory_space<hbm>>
    tpu.wait_dma2 semaphore(%arg9 : memref<!tpu.dma_semaphore, #tpu.memory_space<semaphore_mem>>) src(%dma_wait3A_16 : memref<128x128xf32, #tpu.memory_space<hbm>>) dst(%arg7 : memref<128x128xf32, #tpu.memory_space<vmem>>)
    %add3A_17 = arith.constant 9472 : i32
    %add3A_18 = arith.addi %multiple_of3A, %add3A_17 : i32
    %multiple_of3A_19 = tpu.assume_multiple %add3A_18, 128 : i32
    "tpu.region"() ({
      %run_scoped3A = tpu.sem_alloc : memref<!tpu.dma_semaphore, #tpu.memory_space<semaphore_mem>>
      %dma_start3A_20 = arith.constant 0 : i32
      %dma_start3A_21 = tpu.memref_slice %arg4[%multiple_of3A_19, %dma_start3A_20] : memref<307200x128xf32, #tpu.memory_space<hbm>> -> memref<128x128xf32, #tpu.memory_space<hbm>>
      %dma_start3A_22 = arith.constant 0 : i32
      %dma_start3A_23 = tpu.memref_slice %arg4[%multiple_of3A_19, %dma_start3A_22] : memref<307200x128xf32, #tpu.memory_space<hbm>> -> memref<128x128xf32, #tpu.memory_space<hbm>>
      tpu.enqueue_dma source(%arg7 : memref<128x128xf32, #tpu.memory_space<vmem>>) target(%dma_start3A_23 : memref<128x128xf32, #tpu.memory_space<hbm>>) target_semaphore(%run_scoped3A : memref<!tpu.dma_semaphore, #tpu.memory_space<semaphore_mem>>)
      %dma_wait3A_24 = arith.constant 0 : i32
      %dma_wait3A_25 = tpu.memref_slice %arg4[%multiple_of3A_19, %dma_wait3A_24] : memref<307200x128xf32, #tpu.memory_space<hbm>> -> memref<128x128xf32, #tpu.memory_space<hbm>>
      %dma_wait3A_26 = arith.constant 0 : i32
      %dma_wait3A_27 = tpu.memref_slice %arg4[%multiple_of3A_19, %dma_wait3A_26] : memref<307200x128xf32, #tpu.memory_space<hbm>> -> memref<128x128xf32, #tpu.memory_space<hbm>>
      tpu.wait_dma2 semaphore(%run_scoped3A : memref<!tpu.dma_semaphore, #tpu.memory_space<semaphore_mem>>) src(%arg7 : memref<128x128xf32, #tpu.memory_space<vmem>>) dst(%dma_wait3A_27 : memref<128x128xf32, #tpu.memory_space<hbm>>)
      tpu.yield
    }) : () -> ()
    "tpu.region"() ({
      %run_scoped3A = tpu.sem_alloc : memref<!tpu.dma_semaphore, #tpu.memory_space<semaphore_mem>>
      %dma_start3A_20 = arith.constant 0 : i32
      %dma_start3A_21 = tpu.memref_slice %arg5[%multiple_of3A_19, %dma_start3A_20] : memref<307200x128xf32, #tpu.memory_space<hbm>> -> memref<128x128xf32, #tpu.memory_space<hbm>>
      %dma_start3A_22 = arith.constant 0 : i32
      %dma_start3A_23 = tpu.memref_slice %arg5[%multiple_of3A_19, %dma_start3A_22] : memref<307200x128xf32, #tpu.memory_space<hbm>> -> memref<128x128xf32, #tpu.memory_space<hbm>>
      tpu.enqueue_dma source(%arg7 : memref<128x128xf32, #tpu.memory_space<vmem>>) target(%dma_start3A_23 : memref<128x128xf32, #tpu.memory_space<hbm>>) target_semaphore(%run_scoped3A : memref<!tpu.dma_semaphore, #tpu.memory_space<semaphore_mem>>)
      %dma_wait3A_24 = arith.constant 0 : i32
      %dma_wait3A_25 = tpu.memref_slice %arg5[%multiple_of3A_19, %dma_wait3A_24] : memref<307200x128xf32, #tpu.memory_space<hbm>> -> memref<128x128xf32, #tpu.memory_space<hbm>>
      %dma_wait3A_26 = arith.constant 0 : i32
      %dma_wait3A_27 = tpu.memref_slice %arg5[%multiple_of3A_19, %dma_wait3A_26] : memref<307200x128xf32, #tpu.memory_space<hbm>> -> memref<128x128xf32, #tpu.memory_space<hbm>>
      tpu.wait_dma2 semaphore(%run_scoped3A : memref<!tpu.dma_semaphore, #tpu.memory_space<semaphore_mem>>) src(%arg7 : memref<128x128xf32, #tpu.memory_space<vmem>>) dst(%dma_wait3A_27 : memref<128x128xf32, #tpu.memory_space<hbm>>)
      tpu.yield
    }) : () -> ()
    return
  }
}

</mosaic_0001>

<sc_bundles>
// kernel: kernel.3.cloned.1.call-start
scs
__scs_entry_jumppad:
0x0: {  	(pc) =	sbr.rel $0x88, $3  }
0x1: {  	(tag) =	ssettag $0x0;
	lr =	simm.s32 $0x1  }
0x2: {  	[smem:$0x3F9E] =	sst lr;
	_ =	strace $0xD0000000  }
0x3: {  	_ = 	snop  }
0x4: {  	_ = 	snop  }
0x5: {  	_ = 	snop  }
0x6: {  	_ = 	snop  }
0x7: {  	_ = 	snop  }
__scs_overlays_trampoline_lowered:
0x8: {  	[smem:$0x3FAD] =	sst s0  }
0x9: {  	[smem:$0x3FAE] =	sst s1  }
0xa: {  	[smem:$0x3FAF] =	sst s2  }
0xb: {  	[smem:$0x3FB0] =	sst s3  }
0xc: {  	[smem:$0x3FB1] =	sst s4  }
0xd: {  	[smem:$0x3FB2] =	sst s5  }
0xe: {  	[smem:$0x3FB3] =	sst s6  }
0xf: {  	[smem:$0x3FB4] =	sst s7  }
0x10: {  	[smem:$0x3FB5] =	sst s8  }
0x11: {  	[smem:$0x3FB6] =	sst s9;
	s0 =	simm.s32 @!p0 $0x0  }
0x12: {  	s1 =	sld [smem:$0x3F9C];
	s0 =	simm.s32 @p0 $0x1  }
0x13: {  	[smem:$0x3FB7] =	sst s0;
	s0 =	simm.s32 @!p1 $0x0  }
0x14: {  	s2 =	sld [smem:$0x3F9B];
	s0 =	simm.s32 @p1 $0x1  }
0x15: {  	[smem:$0x3FB8] =	sst s0;
	s0 =	simm.s32 @!p2 $0x0  }
0x16: {  	s3 =	sld [smem:$0x3FDB];
	s0 =	simm.s32 @p2 $0x1  }
0x17: {  	s4 =	simm.s32 $0x1BF5;
	[smem:$0x3FBA] =	sst s0  }
0x18: {  	s0 =	sld [smem:$0x3F9D];
	_ =	swait.ge [sflag:s4], $0x0  }
0x19: {  	s7 =	sld [smem:$0x3F9E]  }
0x1a: {  	s8 =	sadd.s32 $0xFFFFE003, lr  }
0x1b: {  	s9 =	sadd.s32 $0xFFFFFEF7, lr;
	s5 =	simm.s32 $0xFFFFFFFF;
	p2 =	slt.u32 s8, $0xFFFFF086  }
0x1c: {  	p1 =	slt.u32 s9, $0xF7A;
	s5 =	simm.s32 @!p2 $0x0  }
0x1d: {  	s5 =	simm.s32 @p1 $0x1;
	p0 =	seq.s32 s7, s2  }
0x1e: {  	s7 =	smul.u32 @!p0 $0xF7A, s2;
	p2 =	seq.s32 @!p0 s5, $0x0  }
0x1f: {  	s9 =	smul.u32 $0xF7A, s1;
	s8 =	simm.s32 @!p0 $0x1BF5;
	p2 =	por !p2, p0  }
0x20: {  	[sflag:s8] =	ssyncset.s32 @!p0 $0xFFFFF086;
	s6 =	sadd.s32 @!p0 s3, s7;
	s7 =	simm.s32 @!p0 $0x108  }
0x21: {  	s3 =	sadd.s32 s3, s9;
	s6 =	sadd.s32 @!p0 $0x88, s6;
	s7 =	simm.s32 @p2 $0x1082  }
0x22: {  	[simem:s7], [sflag:s8] =	dma.local @!p0 [hbm:s6], $0xF7A  }
0x23: {  	s9 =	sor.u32 $0xD0000000, s2;
	s6 =	simm.s32 $0x108;
	_ =	swait.ge @!p0 [sflag:s8], $0x0  }
0x24: {  	s3 =	sadd.s32 $0x88, s3;
	s6 =	simm.s32 @!p1 $0x1082;
	[sflag:s4] =	ssyncset.s32 $0xFFFFF086  }
0x25: {  	[simem:s6], [sflag:s4] =	dma.local [hbm:s3], $0xF7A  }
0x26: {  	[smem:$0x3F9E] =	sst s1;
	(tag) =	ssettag s2;
	_ =	strace s9  }
0x27: {  	s1 =	sld [smem:$0x3FAE]  }
0x28: {  	s2 =	sld [smem:$0x3FAF]  }
0x29: {  	s4 =	sld [smem:$0x3FB1]  }
0x2a: {  	p0 =	seq.s32 s5, $0x0;
	s5 =	sld [smem:$0x3FB2]  }
0x2b: {  	s6 =	sld [smem:$0x3FB3]  }
0x2c: {  	s7 =	sld [smem:$0x3FB4]  }
0x2d: {  	s3 =	simm.s32 $0x108;
	s8 =	sld [smem:$0x3FB5]  }
0x2e: {  	s3 =	simm.s32 @!p0 $0x1082;
	s9 =	sld [smem:$0x3FB6]  }
0x2f: {  	lr =	sadd.s32 s0, s3;
	s0 =	sld [smem:$0x3FAD]  }
0x30: {  	s3 =	sld [smem:$0x3FB0]  }
0x31: {  	[smem:$0x3FB9] =	sst s10  }
0x32: {  	s10 =	sld [smem:$0x3FB7];
	_ =	sdelay $0x3  }
0x33: {  	p0 =	seq.s32 s10, $0x1;
	s10 =	sld [smem:$0x3FB9];
	_ =	sdelay $0x3  }
0x34: {  	[smem:$0x3FB9] =	sst s10  }
0x35: {  	s10 =	sld [smem:$0x3FB8];
	_ =	sdelay $0x3  }
0x36: {  	p1 =	seq.s32 s10, $0x1;
	s10 =	sld [smem:$0x3FB9];
	_ =	sdelay $0x3  }
0x37: {  	[smem:$0x3FB9] =	sst s10  }
0x38: {  	s10 =	sld [smem:$0x3FBA]  }
0x39: {  	_ = 	snop;
	(pc) =	sbr.ind lr, $3  }
0x3a: {  	_ = 	snop  }
0x3b: {  	_ = 	snop  }
0x3c: {  	p2 =	seq.s32 s10, $0x1;
	s10 =	sld [smem:$0x3FB9]  }
0x3d: {  	_ =	shalt  }
0x3e: {  	_ =	shalt  }
0x3f: {  	_ =	shalt  }
0x40: {  	_ =	shalt  }
0x41: {  	_ =	shalt  }
0x42: {  	_ =	shalt  }
0x43: {  	_ =	shalt  }
0x44: {  	_ =	shalt  }
0x45: {  	_ =	shalt  }
0x46: {  	_ =	shalt  }
0x47: {  	_ =	shalt  }
0x48: {  	_ =	shalt  }
0x49: {  	_ =	shalt  }
0x4a: {  	_ =	shalt  }
0x4b: {  	_ =	shalt  }
0x4c: {  	_ =	shalt  }
0x4d: {  	_ =	shalt  }
0x4e: {  	_ =	shalt  }
0x4f: {  	_ =	shalt  }
0x50: {  	_ =	shalt  }
0x51: {  	_ =	shalt  }
0x52: {  	_ =	shalt  }
0x53: {  	_ =	shalt  }
0x54: {  	_ =	shalt  }
0x55: {  	_ =	shalt  }
0x56: {  	_ =	shalt  }
0x57: {  	_ =	shalt  }
0x58: {  	_ =	shalt  }
0x59: {  	_ =	shalt  }
0x5a: {  	_ =	shalt  }
0x5b: {  	_ =	shalt  }
0x5c: {  	_ =	shalt  }
0x5d: {  	_ =	shalt  }
0x5e: {  	_ =	shalt  }
0x5f: {  	_ =	shalt  }
0x60: {  	_ =	shalt  }
0x61: {  	_ =	shalt  }
0x62: {  	_ =	shalt  }
0x63: {  	_ =	shalt  }
0x64: {  	_ =	shalt  }
0x65: {  	_ =	shalt  }
0x66: {  	_ =	shalt  }
0x67: {  	_ =	shalt  }
0x68: {  	_ =	shalt  }
0x69: {  	_ =	shalt  }
0x6a: {  	_ =	shalt  }
0x6b: {  	_ =	shalt  }
0x6c: {  	_ =	shalt  }
0x6d: {  	_ =	shalt  }
0x6e: {  	_ =	shalt  }
0x6f: {  	_ =	shalt  }
0x70: {  	_ =	shalt  }
0x71: {  	_ =	shalt  }
0x72: {  	_ =	shalt  }
0x73: {  	_ =	shalt  }
0x74: {  	_ =	shalt  }
0x75: {  	_ =	shalt  }
0x76: {  	_ =	shalt  }
0x77: {  	_ =	shalt  }
0x78: {  	_ =	shalt  }
0x79: {  	_ =	shalt  }
0x7a: {  	_ =	shalt  }
0x7b: {  	_ =	shalt  }
0x7c: {  	_ =	shalt  }
0x7d: {  	_ =	shalt  }
0x7e: {  	_ =	shalt  }
0x7f: {  	_ =	shalt  }
0x80: {  	_ =	shalt  }
0x81: {  	_ =	shalt  }
0x82: {  	_ =	shalt  }
0x83: {  	_ =	shalt  }
0x84: {  	_ =	shalt  }
0x85: {  	_ =	shalt  }
0x86: {  	_ =	shalt  }
0x87: {  	_ =	shalt  }
.Lfunc_end0:
.L_simem_size_0:
called_computation_lowered:
.L_overlay_start_0:
0x88: {  	s2 =	sld [smem:$0x3FD9]  }
0x89: {  	s3 =	sld [smem:$0x3FFE];
	_ =	sdelay $0x1  }
0x8a: {  	s1 =	srdreg.scid  }
0x8b: {  	s0 =	sand.u32 $0x1, s1  }
0x8c: {  	s15 =	sshll.u32 s0, $0xA;
	s2 =	sadd.s32 s3, s2  }
0x8d: {  	s2 =	sadd.s32 s2, s15  }
0x8e: {  	[smem:$0x3FC5] =	sst s2  }
0x8f: {  	_ = 	snop  }
0x90: {  	s2 =	sld [smem:$0x3FD0];
	_ =	sdelay $0x2  }
0x91: {  	s4 =	simm.s32 $0xA;
	s5 =	simm.s32 $0x10;
	s16 =	sld [smem:$0x3FC7]  }
0x92: {  	[smem:s5], [sflag:s4] =	dma.local [hbm:s2], $0x1  }
0x93: {  	_ =	swait.eq [sflag:s4], $0x1  }
0x94: {  	s17 =	sld [smem:$0x10];
	[sflag:s4] =	ssyncset.done $0x0  }
0x95: {  	s18 =	sld [smem:$0x11];
	[sflag:s4] =	ssyncadd.s32 $0xFFFFFFFF  }
0x96: {  	s19 =	sld [smem:$0x12];
	(tm) =	ssettm $0x1  }
0x97: {  	s6 =	sld [smem:$0x3FFB];
	_ =	sdelay $0x3  }
0x98: {  	_ =	strace s6  }
0x99: {  	s6 =	sld [smem:$0x3FFC];
	_ =	sdelay $0x3  }
0x9a: {  	_ =	strace s6  }
0x9b: {  	s6 =	sld [smem:$0x3FFD];
	_ =	sdelay $0x3  }
0x9c: {  	_ =	strace s6  }
0x9d: {  	_ =	strace $0x8FFFFFFF  }
0x9e: {  	s20 =	sld [smem:$0x3FDB];
	_ =	sdelay $0x1  }
0x9f: {  	s7 =	simm.s32 $_scs_section_size  }
0xa0: {  	s8 =	simm.s32 $_size__tile_overlayer_lowered;
	s9 =	simm.s32 $_tile_overlayer_lowered  }
0xa1: {  	s23 =	simm.s32 $0x1BFF;
	s22 =	sshll.u32 s9, $0x1;
	s6 =	sadd.s32 s7, s20  }
0xa2: {  	s10 =	simm.s32 $0x0;
	s21 =	sshll.u32 s8, $0x1;
	s8 =	sadd.s32 s22, s6  }
0xa3: {  	[timem:s10], [sflag:s23] =	dma.local [hbm:s8], s21  }
0xa4: {  	_ =	swait.ge [sflag:s23], s21  }
0xa5: {  	s7 =	ssub.s32 $0x0, s21;
	[sflag:s23] =	ssyncset.done $0x0  }
0xa6: {  	[sflag:s23] =	ssyncadd.s32 s7;
	_ =	sdelay $0x1  }
0xa7: {  	s24 =	simm.s32 $0x1B8B  }
0xa8: {  	_ =	swait.ge [sflag:s24], $0x1  }
0xa9: {  	[sflag:s24] =	ssyncset.done $0x0  }
0xaa: {  	s25 =	simm.s32 $0x1B8E;
	[sflag:s24] =	ssyncadd.s32 $0xFFFFFFFF  }
0xab: {  	s26 =	simm.s32 $execute0_lowered;
	[smem:$0x3FD2] =	sst s25  }
0xac: {  	s7 =	sshll.u32 s26, $0x1;
	_ =	strace $0x80000046;
	[dreg:$0x1] =	wrdreg $0xFFFFFFFF  }
0xad: {  	s28 =	simm.s32 $_size_execute0_lowered;
	s6 =	sadd.s32 s6, s7;
	[dreg:$0x0] =	wrdreg $0x0  }
0xae: {  	s7 =	sshll.u32 s28, $0x1;
	[dreg:$0x2] =	wrdreg s6  }
0xaf: {  	[dreg:$0x3] =	wrdreg s7  }
0xb0: {  	[dreg:$0x4] =	wrdreg $0xC0  }
0xb1: {  	_ =	task [dreg:s10], $0x5FFFF  }
0xb2: {  	[dreg:$0x1] =	wrdreg $0xFFFFFFFF  }
0xb3: {  	[dreg:$0x0] =	wrdreg $0x60  }
0xb4: {  	[dreg:$0x2] =	wrdreg s19  }
0xb5: {  	[dreg:$0x3] =	wrdreg s16  }
0xb6: {  	[dreg:$0x4] =	wrdreg s17  }
0xb7: {  	[dreg:$0x5] =	wrdreg s18  }
0xb8: {  	[dreg:$0x6] =	wrdreg $0x9  }
0xb9: {  	_ =	task.clear_ibuf [dreg:s10], $0x7FFFF;
	_ =	strace $0x90000046  }
0xba: {  	s29 =	simm.s32 $0x9;
	_ =	strace $0x80000048  }
0xbb: {  	_ =	swait.ge [sflag:s29], $0x1  }
0xbc: {  	[sflag:s29] =	ssyncadd.s32 $0xFFFFFFFF  }
0xbd: {  	_ =	strace $0x90000048  }
0xbe: {  	_ =	sfence  }
0xbf: {  	s30 =	sld [smem:$0x0];
	_ =	sdelay $0x2  }
0xc0: {  	s31 =	sshll.u32 s1, $0xD;
	s1 =	sshrl.u32 s1, $0x2  }
0xc1: {  	s3 =	sand.u32 $0x4000, s31;
	s1 =	sadd.s32 s1, s30  }
0xc2: {  	s0 =	sor.u32 s3, s0;
	s1 =	sshll.u32 s1, $0x11  }
0xc3: {  	s0 =	sor.u32 s1, s0  }
0xc4: {  	s0 =	sadd.s32 $0x8F2B, s0  }
0xc5: {  	[sflag:s0] =	ssyncadd.remote.s32 $0x1  }
0xc6: {  	_ =	sfence.sel $0xFFFF  }
0xc7: {  	[dreg:$0x0] =	wrdreg $0xFFFFFFFF;
	(pc) =	sbr.abs _section_cstart, $3  }
0xc8: {  	[dreg:$0x1] =	wrdreg $0xFFFFFFFF  }
0xc9: {  	_ =	task.clear_ibuf [dreg:s10], $0x2FFFF;
	_ =	strace $0x9FFFFFFF  }
0xca: {  	(tm) =	ssettm $0x7FFFFFFF  }
0xcb: {  	_ =	shalt  }
tec
execute0_lowered:
.L_overlay_start_1:
0x0: {  	(tag) =	ssettag $0x1  }
0x1: {  	s4 =	rddreg [dreg:$0x0]  }
0x2: {  	s1 =	rddreg [dreg:$0x1]  }
0x3: {  	s9 =	rddreg [dreg:$0x2];
	s2 =	srdreg.scid  }
0x4: {  	s0 =	stileid.u32;
	s10 =	rddreg [dreg:$0x3];
	s3 =	simm.s32 $0x0  }
0x5: {  	s15 =	simm.s32 $0x6580;
	s16 =	simm.s32 $0x1;
	s12 =	smul.u32 $0x258000, s0  }
0x6: {  	s17 =	simm.s32 $0x2;
	s8 =	sand.u32 $0x1, s2;
	s29 =	smul.u32 $0x4B000, s0  }
0x7: {  	s18 =	simm.s32 $0x0;
	s5 =	sshll.u32 s0, $0x1;
	s13 =	smul.u32 $0x12C000, s8  }
0x8: {  	s2 =	rddreg [dreg:$0x4];
	s5 =	sor.u32 s8, s5;
	s30 =	smul.u32 $0x25800, s8  }
0x9: {  	[smem:$0x7FF] =	sst s3;
	s7 =	ssub.s32 $0x2, s8;
	s6 =	smul.u32 $0x12C000, s5  }
0xa: {  	_ =	strace $0x80000047;
	s5 =	smul.u32 $0x2580, s5;
	s11 =	sshrl.u32 s7, $0x1  }
0xb: {  	s14 =	sadd.s32 s29, s9;
	s7 =	ssub.s32 s7, s11;
	s28 =	sadd.s32 s13, s12  }
0xc: {  	s31 =	sadd.s32 s30, s14;
	s13 =	simm.s32 $0x80;
	s14 =	simm.s32 $0x2580  }
0xd: {  	s6 =	sshrl.u32 s6, $0x3;
	s5 =	sshrl.u32 s5, $0x3;
	s11 =	sshrl.u32 s28, $0x3  }
0xe: {  	s6 =	sadd.s32 $0x25000, s6;
	s4 =	sadd.s32 s4, s5;
	s8 =	sadd.s32 s11, s10  }
0xf: {  	s5 =	sadd.s32 s9, s6;
	s6 =	sadd.s32 s10, s6;
	s10 =	sadd.s32 s29, s10  }
0x10: {  	s7 =	smax.u32 s7, $0x1;
	s9 =	sadd.s32 s11, s9;
	s12 =	sadd.s32 s30, s10  }
0x11: {  	s10 =	sadd.s32 $0x800, s31;
	s11 =	sadd.s32 $0x800, s12;
	s12 =	simm.s32 $0x3  }
.LBB2_1:
0x12: {  	[tilespmem:s3], [sflag:$0x3] =	stream.linear.gather [hbm4b:s4+s3], $0x2580, $0x38;
	[tilespmem:$0xA580] =	vst v63  }
0x13: {  	_ =	swait.ge [sflag:s12], $0x2580  }
0x14: {  	[sflag:s12] =	ssyncset.done $0x0  }
0x15: {  	[sflag:s12] =	ssyncadd.s32 $0xFFFFDA80  }
0x16: {  	[tilespmem:s14], [sflag:$0x1] =	stream.indirect.gather [hbm4b:s1+s13], $0x80, s3, s13, $0xb8;
	[tilespmem:$0xA580] =	vst v63  }
0x17: {  	s19 =	simm.s32 $0x80  }
0x18: {  	[tilespmem:s15], [sflag:$0x2] =	stream.indirect.gather [hbm4b:s1+s13], $0x80, s19, s13, $0xb8;
	[tilespmem:$0xA580] =	vst v63  }
0x19: {  	_ =	swait.ge [sflag:s16], $0x4000  }
0x1a: {  	[sflag:s16] =	ssyncset.done $0x0  }
0x1b: {  	s26 =	sadd.s32 $0x0, s9;
	[sflag:s16] =	ssyncadd.s32 $0xFFFFC000  }
0x1c: {  	[hbm4b:s26+s3] =	stream.linear.scatter [tilespmem:s14], [sflag:$0x3], $0x4000, $0x38;
	[tilespmem:$0xA580] =	vst v63  }
0x1d: {  	_ =	swait.ge [sflag:s12], $0x4000  }
0x1e: {  	[sflag:s12] =	ssyncset.done $0x0  }
0x1f: {  	s28 =	sadd.s32 $0x0, s8;
	[sflag:s12] =	ssyncadd.s32 $0xFFFFC000  }
0x20: {  	[hbm4b:s28+s3] =	stream.linear.scatter [tilespmem:s14], [sflag:$0x3], $0x4000, $0x38;
	[tilespmem:$0xA580] =	vst v63  }
0x21: {  	_ =	swait.ge [sflag:s12], $0x4000  }
0x22: {  	[sflag:s12] =	ssyncset.done $0x0  }
0x23: {  	s29 =	simm.s32 $0x100;
	[sflag:s12] =	ssyncadd.s32 $0xFFFFC000  }
0x24: {  	[tilespmem:s14], [sflag:$0x1] =	stream.indirect.gather [hbm4b:s1+s13], $0x80, s29, s13, $0xb8;
	[tilespmem:$0xA580] =	vst v63  }
0x25: {  	_ =	swait.ge [sflag:s17], $0x4000  }
0x26: {  	[sflag:s17] =	ssyncset.done $0x0  }
0x27: {  	s30 =	sadd.s32 $0x0, s10;
	[sflag:s17] =	ssyncadd.s32 $0xFFFFC000  }
0x28: {  	[hbm4b:s30+s3] =	stream.linear.scatter [tilespmem:s15], [sflag:$0x3], $0x4000, $0x38;
	[tilespmem:$0xA580] =	vst v63  }
0x29: {  	_ =	swait.ge [sflag:s12], $0x4000  }
0x2a: {  	[sflag:s12] =	ssyncset.done $0x0  }
0x2b: {  	s31 =	sadd.s32 $0x0, s11;
	[sflag:s12] =	ssyncadd.s32 $0xFFFFC000  }
0x2c: {  	[hbm4b:s31+s3] =	stream.linear.scatter [tilespmem:s15], [sflag:$0x3], $0x4000, $0x38;
	[tilespmem:$0xA580] =	vst v63  }
0x2d: {  	s21 =	simm.s32 $0x2000;
	_ =	swait.ge [sflag:s12], $0x4000  }
0x2e: {  	s20 =	simm.s32 $0x200;
	s19 =	simm.s32 $0x1000;
	[sflag:s12] =	ssyncset.done $0x0  }
.LBB2_2:
0x2f: {  	p0 =	sne.s32 s21, $0x24000;
	s22 =	sadd.s32 $0xFFFFFF80, s20;
	[sflag:s12] =	ssyncadd.s32 $0xFFFFC000  }
0x30: {  	[tilespmem:s15], [sflag:$0x2] =	stream.indirect.gather [hbm4b:s1+s13], $0x80, s22, s13, $0xb8;
	[tilespmem:$0xA580] =	vst v63  }
0x31: {  	s22 =	smov.u32 s21;
	s21 =	sadd.s32 $0x1000, s21;
	_ =	swait.ge [sflag:s16], $0x4000  }
0x32: {  	[sflag:s16] =	ssyncset.done $0x0  }
0x33: {  	s23 =	sadd.s32 s19, s9;
	[sflag:s16] =	ssyncadd.s32 $0xFFFFC000  }
0x34: {  	[hbm4b:s23+s3] =	stream.linear.scatter [tilespmem:s14], [sflag:$0x3], $0x4000, $0x38;
	[tilespmem:$0xA580] =	vst v63  }
0x35: {  	_ =	swait.ge [sflag:s12], $0x4000  }
0x36: {  	[sflag:s12] =	ssyncset.done $0x0  }
0x37: {  	s23 =	sadd.s32 s19, s8;
	[sflag:s12] =	ssyncadd.s32 $0xFFFFC000  }
0x38: {  	[hbm4b:s23+s3] =	stream.linear.scatter [tilespmem:s14], [sflag:$0x3], $0x4000, $0x38;
	[tilespmem:$0xA580] =	vst v63  }
0x39: {  	_ =	swait.ge [sflag:s12], $0x4000  }
0x3a: {  	[sflag:s12] =	ssyncset.done $0x0  }
0x3b: {  	[sflag:s12] =	ssyncadd.s32 $0xFFFFC000  }
0x3c: {  	[tilespmem:s14], [sflag:$0x1] =	stream.indirect.gather [hbm4b:s1+s13], $0x80, s20, s13, $0xb8;
	[tilespmem:$0xA580] =	vst v63  }
0x3d: {  	_ =	swait.ge [sflag:s17], $0x4000  }
0x3e: {  	[sflag:s17] =	ssyncset.done $0x0  }
0x3f: {  	s23 =	sadd.s32 s19, s10;
	[sflag:s17] =	ssyncadd.s32 $0xFFFFC000  }
0x40: {  	[hbm4b:s23+s3] =	stream.linear.scatter [tilespmem:s15], [sflag:$0x3], $0x4000, $0x38;
	[tilespmem:$0xA580] =	vst v63  }
0x41: {  	_ =	swait.ge [sflag:s12], $0x4000  }
.Ltmp0:
0x42: {  	[sflag:s12] =	ssyncset.done $0x0;
	(pc) =	sbr.rel @p0 .LBB2_2-.Ltmp0, $4  }
0x43: {  	s23 =	sadd.s32 s19, s11;
	s19 =	smov.u32 s22;
	[sflag:s12] =	ssyncadd.s32 $0xFFFFC000  }
0x44: {  	[hbm4b:s23+s3] =	stream.linear.scatter [tilespmem:s15], [sflag:$0x3], $0x4000, $0x38;
	[tilespmem:$0xA580] =	vst v63  }
0x45: {  	_ =	swait.ge [sflag:s12], $0x4000  }
0x46: {  	s20 =	sadd.s32 $0x100, s20;
	[sflag:s12] =	ssyncset.done $0x0  }
0x47: {  	s21 =	sadd.s32 $0xFFFFFF80, s20;
	[sflag:s12] =	ssyncadd.s32 $0xFFFFC000  }
0x48: {  	[tilespmem:s15], [sflag:$0x2] =	stream.indirect.gather [hbm4b:s1+s13], $0x80, s21, s13, $0xb8;
	[tilespmem:$0xA580] =	vst v63  }
0x49: {  	_ =	swait.ge [sflag:s16], $0x4000  }
0x4a: {  	[sflag:s16] =	ssyncset.done $0x0  }
0x4b: {  	s28 =	sadd.s32 s19, s9;
	[sflag:s16] =	ssyncadd.s32 $0xFFFFC000  }
0x4c: {  	[hbm4b:s28+s3] =	stream.linear.scatter [tilespmem:s14], [sflag:$0x3], $0x4000, $0x38;
	[tilespmem:$0xA580] =	vst v63  }
0x4d: {  	_ =	swait.ge [sflag:s12], $0x4000  }
0x4e: {  	[sflag:s12] =	ssyncset.done $0x0  }
0x4f: {  	s29 =	sadd.s32 s19, s8;
	[sflag:s12] =	ssyncadd.s32 $0xFFFFC000  }
0x50: {  	[hbm4b:s29+s3] =	stream.linear.scatter [tilespmem:s14], [sflag:$0x3], $0x4000, $0x38;
	[tilespmem:$0xA580] =	vst v63  }
0x51: {  	_ =	swait.ge [sflag:s12], $0x4000  }
0x52: {  	[sflag:s12] =	ssyncset.done $0x0  }
0x53: {  	[sflag:s12] =	ssyncadd.s32 $0xFFFFC000  }
0x54: {  	[tilespmem:s14], [sflag:$0x1] =	stream.indirect.gather [hbm4b:s1+s13], $0x80, s20, s13, $0xb8;
	[tilespmem:$0xA580] =	vst v63  }
0x55: {  	_ =	swait.ge [sflag:s17], $0x4000  }
0x56: {  	[sflag:s17] =	ssyncset.done $0x0  }
0x57: {  	s30 =	sadd.s32 s19, s10;
	[sflag:s17] =	ssyncadd.s32 $0xFFFFC000  }
0x58: {  	[hbm4b:s30+s3] =	stream.linear.scatter [tilespmem:s15], [sflag:$0x3], $0x4000, $0x38;
	[tilespmem:$0xA580] =	vst v63  }
0x59: {  	_ =	swait.ge [sflag:s12], $0x4000  }
0x5a: {  	[sflag:s12] =	ssyncset.done $0x0  }
0x5b: {  	s31 =	sadd.s32 s19, s11;
	[sflag:s12] =	ssyncadd.s32 $0xFFFFC000  }
0x5c: {  	[hbm4b:s31+s3] =	stream.linear.scatter [tilespmem:s15], [sflag:$0x3], $0x4000, $0x38;
	[tilespmem:$0xA580] =	vst v63  }
0x5d: {  	_ =	swait.ge [sflag:s12], $0x4000  }
0x5e: {  	[sflag:s12] =	ssyncset.done $0x0  }
0x5f: {  	[sflag:s12] =	ssyncadd.s32 $0xFFFFC000  }
0x60: {  	_ =	swait.ge [sflag:s16], $0x4000  }
0x61: {  	[sflag:s16] =	ssyncset.done $0x0  }
0x62: {  	[sflag:s16] =	ssyncadd.s32 $0xFFFFC000  }
0x63: {  	[hbm4b:s5+s3] =	stream.linear.scatter [tilespmem:s14], [sflag:$0x3], $0x4000, $0x38;
	[tilespmem:$0xA580] =	vst v63  }
0x64: {  	s18 =	sadd.s32 $0x1, s18;
	_ =	swait.ge [sflag:s12], $0x4000  }
0x65: {  	p0 =	sne.s32 s18, s7;
	[sflag:s12] =	ssyncset.done $0x0  }
.Ltmp1:
0x66: {  	[sflag:s12] =	ssyncadd.s32 $0xFFFFC000;
	(pc) =	sbr.rel @p0 .LBB2_1-.Ltmp1, $4  }
0x67: {  	[hbm4b:s6+s3] =	stream.linear.scatter [tilespmem:s14], [sflag:$0x3], $0x4000, $0x38;
	[tilespmem:$0xA580] =	vst v63  }
0x68: {  	_ =	swait.ge [sflag:s12], $0x4000  }
0x69: {  	[sflag:s12] =	ssyncset.done $0x0  }
0x6a: {  	[sflag:s12] =	ssyncadd.s32 $0xFFFFC000  }
0x6b: {  	_ =	sfence.sel $0x180000  }
0x6c: {  	[bflag:$0x0] =	sbarrier.arrive $0xFFFF  }
0x6d: {  	p0 =	sne.s32 s0, $0x0;
	_ =	strace $0x90000047  }
0x6e: {  	s0 =	sadd.s32 @!p0 $0x100000, s2;
	[bflag:$0x2] =	sbarrier.arrive $0xFFFF  }
0x6f: {  	[sflag:s0] =	ssyncadd.tile.s32 @!p0 $0x1;
	_ =	shalt  }
.Lfunc_end2:
_tile_overlayer_lowered:
.L_overlay_start_2:
0x70: {  	(tag) =	ssettag $0x2  }
0x71: {  	s0 =	rddreg [dreg:$0x0];
	s2 =	stileid.u32  }
0x72: {  	s1 =	rddreg [dreg:$0x1];
	p0 =	sne.s32 s2, $0x0  }
0x73: {  	s3 =	rddreg [dreg:$0x2];
	[bflag:$0x3] =	sbarrier.arrive $0xFFFF;
	s2 =	simm.s32 @!p0 $0x1C03  }
0x74: {  	[timem:s3], [sflag:s2] =	dma.local @!p0 [hbm:s0], s1  }
0x75: {  	s0 =	simm.s32 @!p0 $0x3  }
0x76: {  	_ =	swait.ge @!p0 [sflag:s0], s1  }
0x77: {  	s1 =	ssub.s32 @!p0 $0x0, s1;
	[sflag:s0] =	ssyncset.done @!p0 $0x0  }
0x78: {  	[sflag:s0] =	ssyncadd.s32 @!p0 s1  }
0x79: {  	[bflag:$0x3] =	sbarrier.arrive $0xFFFF  }
0x7a: {  	_ =	shalt  }

</sc_bundles>
